<compile_context>
chip_gen: v7x
topology: tpu7x:2x2x1
jax: 0.10.2.dev20260603
libtpu: 0.0.44.dev20260713+nightly
codegen_flags: <defaults>
</compile_context>

<pallas_src>
import functools

import jax
import jax.numpy as jnp
from jax import lax
from jax.experimental import pallas as pl
from jax.experimental.pallas import tpu as pltpu
from jax.experimental.pallas import tpu_sc as plsc

_S = 4
_T = 32768
_D = 768
_B = _T // _S

_info = plsc.get_sparse_core_info()
_NC = _info.num_cores
_NS = _info.num_subcores
_NW = _NC * _NS
_BPW = _B // _NW
_CHUNK = 64
_NCHUNK = _BPW // _CHUNK

_mesh = plsc.VectorSubcoreMesh(core_axis_name="c", subcore_axis_name="s")


@functools.partial(
    pl.kernel,
    mesh=_mesh,
    out_type=jax.ShapeDtypeStruct((_B, _D), jnp.float32),
    scratch_types=[
        pltpu.VMEM((_BPW,), jnp.int32),
        pltpu.VMEM((_CHUNK, _D), jnp.float32),
        pltpu.VMEM((_CHUNK, _D), jnp.float32),
        pltpu.SemaphoreType.DMA,
        pltpu.SemaphoreType.DMA,
    ],
)
def _sc_gather(vid_hbm, idx_hbm, out_hbm, idx_v, buf0, buf1, gsem, wsem):
    wid = lax.axis_index("s") * _NC + lax.axis_index("c")
    base = wid * _BPW
    pltpu.sync_copy(idx_hbm.at[pl.ds(base, _BPW)], idx_v)
    bufs = (buf0, buf1)
    g = [None] * _NCHUNK
    w = [None] * _NCHUNK
    g[0] = pltpu.async_copy(vid_hbm.at[idx_v.at[pl.ds(0, _CHUNK)]], bufs[0], gsem)
    for c in range(_NCHUNK):
        cur = bufs[c % 2]
        g[c].wait()
        if c + 1 < _NCHUNK:
            if c >= 1:
                w[c - 1].wait()
            g[c + 1] = pltpu.async_copy(
                vid_hbm.at[idx_v.at[pl.ds((c + 1) * _CHUNK, _CHUNK)]],
                bufs[(c + 1) % 2],
                gsem,
            )
        w[c] = pltpu.async_copy(
            cur, out_hbm.at[pl.ds(base + c * _CHUNK, _CHUNK)], wsem
        )
    w[_NCHUNK - 2].wait()
    w[_NCHUNK - 1].wait()


def kernel(vid):
    idx = jax.random.randint(jax.random.key(42), (_B,), 0, _T).astype(jnp.int32)
    return _sc_gather(vid, idx)

# --- scband reference (transcript-rebuilt; emitter-appended) ---
"""Pipeline reference for scband-random-downsample-time-74569222193526 (READ-ONLY COPY).

The authoritative reference and input builder live on the scoring server;
editing this copy changes nothing except your own understanding.
"""

import jax, jax.numpy as jnp
import numpy as np

S = 4  # reduction_factor
T = 32768
D = 768

def setup_inputs(seed: int = 0) -> dict:
    key = jax.random.key(seed)
    vid = jax.random.normal(key, (T, D), dtype=jnp.float32)
    return {"vid": vid}

def reference(vid):
    # Faithful translation of RandomDownsampleTime.forward:
    #   num_points = int(vid.shape[0] / s)
    #   rand_t = torch.randint(0, vid.shape[0], (num_points,))
    #   return vid[rand_t]
    num_points = vid.shape[0] // S
    rand_t = jax.random.randint(jax.random.key(42), (num_points,), 0, vid.shape[0])
    return jnp.take(vid, rand_t, axis=0)

if __name__ == "__main__":
    import jax
    _d = setup_inputs()
    print(jax.jit(kernel)(*tuple(_d.values())))

</pallas_src>

<mosaic_0001>
#map = affine_map<(d0, d1) -> (0, 0)>
#map1 = affine_map<(d0, d1) -> (0)>
module attributes {stable_mosaic.version = 14 : i64} {
  func.func @_sc_gather(%arg0: i32, %arg1: i32, %arg2: memref<32768x768xf32, #tpu.memory_space<hbm>>, %arg3: memref<8192xi32, #tpu.memory_space<hbm>>, %arg4: memref<8192x768xf32, #tpu.memory_space<hbm>>, %arg5: memref<256xi32, #tpu.memory_space<vmem>>, %arg6: memref<64x768xf32, #tpu.memory_space<vmem>>, %arg7: memref<64x768xf32, #tpu.memory_space<vmem>>, %arg8: memref<!tpu.dma_semaphore, #tpu.memory_space<semaphore_mem>>, %arg9: memref<!tpu.dma_semaphore, #tpu.memory_space<semaphore_mem>>) attributes {dimension_semantics = [#tpu.dimension_semantics<core_parallel>, #tpu.dimension_semantics<subcore_parallel>], iteration_bounds = array<i64: 2, 16>, scalar_prefetch = 0 : i64, scratch_operands = 5 : i64, tpu.core_type = #tpu.core_type<sc_vector_subcore>, window_params = [{transform_indices = #map}, {transform_indices = #map1}, {transform_indices = #map}]} {
    %mul3A = arith.constant 2 : i32
    %mul3A_0 = arith.muli %arg1, %mul3A : i32
    %add3A = arith.addi %mul3A_0, %arg0 : i32
    %mul3A_1 = arith.constant 256 : i32
    %mul3A_2 = arith.muli %add3A, %mul3A_1 : i32
    "tpu.region"() ({
      %run_scoped3A = tpu.sem_alloc : memref<!tpu.dma_semaphore, #tpu.memory_space<semaphore_mem>>
      %dma_start3A_81 = tpu.memref_slice %arg3[%mul3A_2] : memref<8192xi32, #tpu.memory_space<hbm>> -> memref<256xi32, #tpu.memory_space<hbm>>
      %dma_start3A_82 = tpu.memref_slice %arg3[%mul3A_2] : memref<8192xi32, #tpu.memory_space<hbm>> -> memref<256xi32, #tpu.memory_space<hbm>>
      tpu.enqueue_dma source(%dma_start3A_82 : memref<256xi32, #tpu.memory_space<hbm>>) target(%arg5 : memref<256xi32, #tpu.memory_space<vmem>>) target_semaphore(%run_scoped3A : memref<!tpu.dma_semaphore, #tpu.memory_space<semaphore_mem>>)
      %dma_wait3A_83 = tpu.memref_slice %arg3[%mul3A_2] : memref<8192xi32, #tpu.memory_space<hbm>> -> memref<256xi32, #tpu.memory_space<hbm>>
      %dma_wait3A_84 = tpu.memref_slice %arg3[%mul3A_2] : memref<8192xi32, #tpu.memory_space<hbm>> -> memref<256xi32, #tpu.memory_space<hbm>>
      tpu.wait_dma2 semaphore(%run_scoped3A : memref<!tpu.dma_semaphore, #tpu.memory_space<semaphore_mem>>) src(%dma_wait3A_84 : memref<256xi32, #tpu.memory_space<hbm>>) dst(%arg5 : memref<256xi32, #tpu.memory_space<vmem>>)
      tpu.yield
    }) : () -> ()
    %dma_start3A = arith.constant 0 : i32
    %dma_start3A_3 = tpu.memref_slice %arg5[%dma_start3A] : memref<256xi32, #tpu.memory_space<vmem>> -> memref<64xi32, #tpu.memory_space<vmem>>
    %dma_start3A_4 = arith.constant 0 : i32
    %dma_start3A_5 = arith.constant 0 : i32
    %dma_start3A_6 = tpu.memref_slice %arg2[%dma_start3A_4, %dma_start3A_5] : memref<32768x768xf32, #tpu.memory_space<hbm>> -> memref<32768x768xf32, #tpu.memory_space<hbm>>
    tpu.enqueue_indirect_dma source(%dma_start3A_6 : memref<32768x768xf32, #tpu.memory_space<hbm>>) target(%arg6 : memref<64x768xf32, #tpu.memory_space<vmem>>) offsets(%dma_start3A_3 : memref<64xi32, #tpu.memory_space<vmem>>) semaphore(%arg8 : memref<!tpu.dma_semaphore, #tpu.memory_space<semaphore_mem>>)
    %dma_wait3A = arith.constant 0 : i32
    %dma_wait3A_7 = tpu.memref_slice %arg5[%dma_wait3A] : memref<256xi32, #tpu.memory_space<vmem>> -> memref<64xi32, #tpu.memory_space<vmem>>
    %dma_wait3A_8 = arith.constant 0 : i32
    %dma_wait3A_9 = arith.constant 0 : i32
    %dma_wait3A_10 = tpu.memref_slice %arg2[%dma_wait3A_8, %dma_wait3A_9] : memref<32768x768xf32, #tpu.memory_space<hbm>> -> memref<32768x768xf32, #tpu.memory_space<hbm>>
    tpu.wait_indirect_dma semaphore(%arg8 : memref<!tpu.dma_semaphore, #tpu.memory_space<semaphore_mem>>) src(%dma_wait3A_10 : memref<32768x768xf32, #tpu.memory_space<hbm>>) dst(%arg6 : memref<64x768xf32, #tpu.memory_space<vmem>>)
    %dma_start3A_11 = arith.constant 64 : i32
    %dma_start3A_12 = tpu.memref_slice %arg5[%dma_start3A_11] : memref<256xi32, #tpu.memory_space<vmem>> -> memref<64xi32, #tpu.memory_space<vmem>>
    %dma_start3A_13 = arith.constant 0 : i32
    %dma_start3A_14 = arith.constant 0 : i32
    %dma_start3A_15 = tpu.memref_slice %arg2[%dma_start3A_13, %dma_start3A_14] : memref<32768x768xf32, #tpu.memory_space<hbm>> -> memref<32768x768xf32, #tpu.memory_space<hbm>>
    tpu.enqueue_indirect_dma source(%dma_start3A_15 : memref<32768x768xf32, #tpu.memory_space<hbm>>) target(%arg7 : memref<64x768xf32, #tpu.memory_space<vmem>>) offsets(%dma_start3A_12 : memref<64xi32, #tpu.memory_space<vmem>>) semaphore(%arg8 : memref<!tpu.dma_semaphore, #tpu.memory_space<semaphore_mem>>)
    %add3A_16 = arith.constant 0 : i32
    %add3A_17 = arith.addi %mul3A_2, %add3A_16 : i32
    %dma_start3A_18 = arith.constant 0 : i32
    %dma_start3A_19 = tpu.memref_slice %arg4[%add3A_17, %dma_start3A_18] : memref<8192x768xf32, #tpu.memory_space<hbm>> -> memref<64x768xf32, #tpu.memory_space<hbm>>
    %dma_start3A_20 = arith.constant 0 : i32
    %dma_start3A_21 = tpu.memref_slice %arg4[%add3A_17, %dma_start3A_20] : memref<8192x768xf32, #tpu.memory_space<hbm>> -> memref<64x768xf32, #tpu.memory_space<hbm>>
    tpu.enqueue_dma source(%arg6 : memref<64x768xf32, #tpu.memory_space<vmem>>) target(%dma_start3A_21 : memref<64x768xf32, #tpu.memory_space<hbm>>) target_semaphore(%arg9 : memref<!tpu.dma_semaphore, #tpu.memory_space<semaphore_mem>>)
    %dma_wait3A_22 = arith.constant 64 : i32
    %dma_wait3A_23 = tpu.memref_slice %arg5[%dma_wait3A_22] : memref<256xi32, #tpu.memory_space<vmem>> -> memref<64xi32, #tpu.memory_space<vmem>>
    %dma_wait3A_24 = arith.constant 0 : i32
    %dma_wait3A_25 = arith.constant 0 : i32
    %dma_wait3A_26 = tpu.memref_slice %arg2[%dma_wait3A_24, %dma_wait3A_25] : memref<32768x768xf32, #tpu.memory_space<hbm>> -> memref<32768x768xf32, #tpu.memory_space<hbm>>
    tpu.wait_indirect_dma semaphore(%arg8 : memref<!tpu.dma_semaphore, #tpu.memory_space<semaphore_mem>>) src(%dma_wait3A_26 : memref<32768x768xf32, #tpu.memory_space<hbm>>) dst(%arg7 : memref<64x768xf32, #tpu.memory_space<vmem>>)
    %dma_wait3A_27 = arith.constant 0 : i32
    %dma_wait3A_28 = tpu.memref_slice %arg4[%add3A_17, %dma_wait3A_27] : memref<8192x768xf32, #tpu.memory_space<hbm>> -> memref<64x768xf32, #tpu.memory_space<hbm>>
    %dma_wait3A_29 = arith.constant 0 : i32
    %dma_wait3A_30 = tpu.memref_slice %arg4[%add3A_17, %dma_wait3A_29] : memref<8192x768xf32, #tpu.memory_space<hbm>> -> memref<64x768xf32, #tpu.memory_space<hbm>>
    tpu.wait_dma2 semaphore(%arg9 : memref<!tpu.dma_semaphore, #tpu.memory_space<semaphore_mem>>) src(%arg6 : memref<64x768xf32, #tpu.memory_space<vmem>>) dst(%dma_wait3A_30 : memref<64x768xf32, #tpu.memory_space<hbm>>)
    %dma_start3A_31 = arith.constant 128 : i32
    %dma_start3A_32 = tpu.memref_slice %arg5[%dma_start3A_31] : memref<256xi32, #tpu.memory_space<vmem>> -> memref<64xi32, #tpu.memory_space<vmem>>
    %dma_start3A_33 = arith.constant 0 : i32
    %dma_start3A_34 = arith.constant 0 : i32
    %dma_start3A_35 = tpu.memref_slice %arg2[%dma_start3A_33, %dma_start3A_34] : memref<32768x768xf32, #tpu.memory_space<hbm>> -> memref<32768x768xf32, #tpu.memory_space<hbm>>
    tpu.enqueue_indirect_dma source(%dma_start3A_35 : memref<32768x768xf32, #tpu.memory_space<hbm>>) target(%arg6 : memref<64x768xf32, #tpu.memory_space<vmem>>) offsets(%dma_start3A_32 : memref<64xi32, #tpu.memory_space<vmem>>) semaphore(%arg8 : memref<!tpu.dma_semaphore, #tpu.memory_space<semaphore_mem>>)
    %add3A_36 = arith.constant 64 : i32
    %add3A_37 = arith.addi %mul3A_2, %add3A_36 : i32
    %dma_start3A_38 = arith.constant 0 : i32
    %dma_start3A_39 = tpu.memref_slice %arg4[%add3A_37, %dma_start3A_38] : memref<8192x768xf32, #tpu.memory_space<hbm>> -> memref<64x768xf32, #tpu.memory_space<hbm>>
    %dma_start3A_40 = arith.constant 0 : i32
    %dma_start3A_41 = tpu.memref_slice %arg4[%add3A_37, %dma_start3A_40] : memref<8192x768xf32, #tpu.memory_space<hbm>> -> memref<64x768xf32, #tpu.memory_space<hbm>>
    tpu.enqueue_dma source(%arg7 : memref<64x768xf32, #tpu.memory_space<vmem>>) target(%dma_start3A_41 : memref<64x768xf32, #tpu.memory_space<hbm>>) target_semaphore(%arg9 : memref<!tpu.dma_semaphore, #tpu.memory_space<semaphore_mem>>)
    %dma_wait3A_42 = arith.constant 128 : i32
    %dma_wait3A_43 = tpu.memref_slice %arg5[%dma_wait3A_42] : memref<256xi32, #tpu.memory_space<vmem>> -> memref<64xi32, #tpu.memory_space<vmem>>
    %dma_wait3A_44 = arith.constant 0 : i32
    %dma_wait3A_45 = arith.constant 0 : i32
    %dma_wait3A_46 = tpu.memref_slice %arg2[%dma_wait3A_44, %dma_wait3A_45] : memref<32768x768xf32, #tpu.memory_space<hbm>> -> memref<32768x768xf32, #tpu.memory_space<hbm>>
    tpu.wait_indirect_dma semaphore(%arg8 : memref<!tpu.dma_semaphore, #tpu.memory_space<semaphore_mem>>) src(%dma_wait3A_46 : memref<32768x768xf32, #tpu.memory_space<hbm>>) dst(%arg6 : memref<64x768xf32, #tpu.memory_space<vmem>>)
    %dma_wait3A_47 = arith.constant 0 : i32
    %dma_wait3A_48 = tpu.memref_slice %arg4[%add3A_37, %dma_wait3A_47] : memref<8192x768xf32, #tpu.memory_space<hbm>> -> memref<64x768xf32, #tpu.memory_space<hbm>>
    %dma_wait3A_49 = arith.constant 0 : i32
    %dma_wait3A_50 = tpu.memref_slice %arg4[%add3A_37, %dma_wait3A_49] : memref<8192x768xf32, #tpu.memory_space<hbm>> -> memref<64x768xf32, #tpu.memory_space<hbm>>
    tpu.wait_dma2 semaphore(%arg9 : memref<!tpu.dma_semaphore, #tpu.memory_space<semaphore_mem>>) src(%arg7 : memref<64x768xf32, #tpu.memory_space<vmem>>) dst(%dma_wait3A_50 : memref<64x768xf32, #tpu.memory_space<hbm>>)
    %dma_start3A_51 = arith.constant 192 : i32
    %dma_start3A_52 = tpu.memref_slice %arg5[%dma_start3A_51] : memref<256xi32, #tpu.memory_space<vmem>> -> memref<64xi32, #tpu.memory_space<vmem>>
    %dma_start3A_53 = arith.constant 0 : i32
    %dma_start3A_54 = arith.constant 0 : i32
    %dma_start3A_55 = tpu.memref_slice %arg2[%dma_start3A_53, %dma_start3A_54] : memref<32768x768xf32, #tpu.memory_space<hbm>> -> memref<32768x768xf32, #tpu.memory_space<hbm>>
    tpu.enqueue_indirect_dma source(%dma_start3A_55 : memref<32768x768xf32, #tpu.memory_space<hbm>>) target(%arg7 : memref<64x768xf32, #tpu.memory_space<vmem>>) offsets(%dma_start3A_52 : memref<64xi32, #tpu.memory_space<vmem>>) semaphore(%arg8 : memref<!tpu.dma_semaphore, #tpu.memory_space<semaphore_mem>>)
    %add3A_56 = arith.constant 128 : i32
    %add3A_57 = arith.addi %mul3A_2, %add3A_56 : i32
    %dma_start3A_58 = arith.constant 0 : i32
    %dma_start3A_59 = tpu.memref_slice %arg4[%add3A_57, %dma_start3A_58] : memref<8192x768xf32, #tpu.memory_space<hbm>> -> memref<64x768xf32, #tpu.memory_space<hbm>>
    %dma_start3A_60 = arith.constant 0 : i32
    %dma_start3A_61 = tpu.memref_slice %arg4[%add3A_57, %dma_start3A_60] : memref<8192x768xf32, #tpu.memory_space<hbm>> -> memref<64x768xf32, #tpu.memory_space<hbm>>
    tpu.enqueue_dma source(%arg6 : memref<64x768xf32, #tpu.memory_space<vmem>>) target(%dma_start3A_61 : memref<64x768xf32, #tpu.memory_space<hbm>>) target_semaphore(%arg9 : memref<!tpu.dma_semaphore, #tpu.memory_space<semaphore_mem>>)
    %dma_wait3A_62 = arith.constant 192 : i32
    %dma_wait3A_63 = tpu.memref_slice %arg5[%dma_wait3A_62] : memref<256xi32, #tpu.memory_space<vmem>> -> memref<64xi32, #tpu.memory_space<vmem>>
    %dma_wait3A_64 = arith.constant 0 : i32
    %dma_wait3A_65 = arith.constant 0 : i32
    %dma_wait3A_66 = tpu.memref_slice %arg2[%dma_wait3A_64, %dma_wait3A_65] : memref<32768x768xf32, #tpu.memory_space<hbm>> -> memref<32768x768xf32, #tpu.memory_space<hbm>>
    tpu.wait_indirect_dma semaphore(%arg8 : memref<!tpu.dma_semaphore, #tpu.memory_space<semaphore_mem>>) src(%dma_wait3A_66 : memref<32768x768xf32, #tpu.memory_space<hbm>>) dst(%arg7 : memref<64x768xf32, #tpu.memory_space<vmem>>)
    %add3A_67 = arith.constant 192 : i32
    %add3A_68 = arith.addi %mul3A_2, %add3A_67 : i32
    %dma_start3A_69 = arith.constant 0 : i32
    %dma_start3A_70 = tpu.memref_slice %arg4[%add3A_68, %dma_start3A_69] : memref<8192x768xf32, #tpu.memory_space<hbm>> -> memref<64x768xf32, #tpu.memory_space<hbm>>
    %dma_start3A_71 = arith.constant 0 : i32
    %dma_start3A_72 = tpu.memref_slice %arg4[%add3A_68, %dma_start3A_71] : memref<8192x768xf32, #tpu.memory_space<hbm>> -> memref<64x768xf32, #tpu.memory_space<hbm>>
    tpu.enqueue_dma source(%arg7 : memref<64x768xf32, #tpu.memory_space<vmem>>) target(%dma_start3A_72 : memref<64x768xf32, #tpu.memory_space<hbm>>) target_semaphore(%arg9 : memref<!tpu.dma_semaphore, #tpu.memory_space<semaphore_mem>>)
    %dma_wait3A_73 = arith.constant 0 : i32
    %dma_wait3A_74 = tpu.memref_slice %arg4[%add3A_57, %dma_wait3A_73] : memref<8192x768xf32, #tpu.memory_space<hbm>> -> memref<64x768xf32, #tpu.memory_space<hbm>>
    %dma_wait3A_75 = arith.constant 0 : i32
    %dma_wait3A_76 = tpu.memref_slice %arg4[%add3A_57, %dma_wait3A_75] : memref<8192x768xf32, #tpu.memory_space<hbm>> -> memref<64x768xf32, #tpu.memory_space<hbm>>
    tpu.wait_dma2 semaphore(%arg9 : memref<!tpu.dma_semaphore, #tpu.memory_space<semaphore_mem>>) src(%arg6 : memref<64x768xf32, #tpu.memory_space<vmem>>) dst(%dma_wait3A_76 : memref<64x768xf32, #tpu.memory_space<hbm>>)
    %dma_wait3A_77 = arith.constant 0 : i32
    %dma_wait3A_78 = tpu.memref_slice %arg4[%add3A_68, %dma_wait3A_77] : memref<8192x768xf32, #tpu.memory_space<hbm>> -> memref<64x768xf32, #tpu.memory_space<hbm>>
    %dma_wait3A_79 = arith.constant 0 : i32
    %dma_wait3A_80 = tpu.memref_slice %arg4[%add3A_68, %dma_wait3A_79] : memref<8192x768xf32, #tpu.memory_space<hbm>> -> memref<64x768xf32, #tpu.memory_space<hbm>>
    tpu.wait_dma2 semaphore(%arg9 : memref<!tpu.dma_semaphore, #tpu.memory_space<semaphore_mem>>) src(%arg7 : memref<64x768xf32, #tpu.memory_space<vmem>>) dst(%dma_wait3A_80 : memref<64x768xf32, #tpu.memory_space<hbm>>)
    return
  }
}

</mosaic_0001>

<sc_bundles>
// kernel: kernel.3.cloned.1.call-start
scs
__scs_entry_jumppad:
0x0: {  	(pc) =	sbr.rel $0x88, $3  }
0x1: {  	(tag) =	ssettag $0x0;
	lr =	simm.s32 $0x1  }
0x2: {  	[smem:$0x3FA0] =	sst lr;
	_ =	strace $0xD0000000  }
0x3: {  	_ = 	snop  }
0x4: {  	_ = 	snop  }
0x5: {  	_ = 	snop  }
0x6: {  	_ = 	snop  }
0x7: {  	_ = 	snop  }
__scs_overlays_trampoline_lowered:
0x8: {  	[smem:$0x3FAF] =	sst s0  }
0x9: {  	[smem:$0x3FB0] =	sst s1  }
0xa: {  	[smem:$0x3FB1] =	sst s2  }
0xb: {  	[smem:$0x3FB2] =	sst s3  }
0xc: {  	[smem:$0x3FB3] =	sst s4  }
0xd: {  	[smem:$0x3FB4] =	sst s5  }
0xe: {  	[smem:$0x3FB5] =	sst s6  }
0xf: {  	[smem:$0x3FB6] =	sst s7  }
0x10: {  	[smem:$0x3FB7] =	sst s8  }
0x11: {  	[smem:$0x3FB8] =	sst s9;
	s0 =	simm.s32 @!p0 $0x0  }
0x12: {  	s1 =	sld [smem:$0x3F9E];
	s0 =	simm.s32 @p0 $0x1  }
0x13: {  	[smem:$0x3FB9] =	sst s0;
	s0 =	simm.s32 @!p1 $0x0  }
0x14: {  	s2 =	sld [smem:$0x3F9D];
	s0 =	simm.s32 @p1 $0x1  }
0x15: {  	[smem:$0x3FBA] =	sst s0;
	s0 =	simm.s32 @!p2 $0x0  }
0x16: {  	s3 =	sld [smem:$0x3FDB];
	s0 =	simm.s32 @p2 $0x1  }
0x17: {  	s4 =	simm.s32 $0x1BF5;
	[smem:$0x3FBC] =	sst s0  }
0x18: {  	s0 =	sld [smem:$0x3F9F];
	_ =	swait.ge [sflag:s4], $0x0  }
0x19: {  	s7 =	sld [smem:$0x3FA0]  }
0x1a: {  	s8 =	sadd.s32 $0xFFFFE003, lr  }
0x1b: {  	s9 =	sadd.s32 $0xFFFFFEF7, lr;
	s5 =	simm.s32 $0xFFFFFFFF;
	p2 =	slt.u32 s8, $0xFFFFF086  }
0x1c: {  	p1 =	slt.u32 s9, $0xF7A;
	s5 =	simm.s32 @!p2 $0x0  }
0x1d: {  	s5 =	simm.s32 @p1 $0x1;
	p0 =	seq.s32 s7, s2  }
0x1e: {  	s7 =	smul.u32 @!p0 $0xF7A, s2;
	p2 =	seq.s32 @!p0 s5, $0x0  }
0x1f: {  	s9 =	smul.u32 $0xF7A, s1;
	s8 =	simm.s32 @!p0 $0x1BF5;
	p2 =	por !p2, p0  }
0x20: {  	[sflag:s8] =	ssyncset.s32 @!p0 $0xFFFFF086;
	s6 =	sadd.s32 @!p0 s3, s7;
	s7 =	simm.s32 @!p0 $0x108  }
0x21: {  	s3 =	sadd.s32 s3, s9;
	s6 =	sadd.s32 @!p0 $0x88, s6;
	s7 =	simm.s32 @p2 $0x1082  }
0x22: {  	[simem:s7], [sflag:s8] =	dma.local @!p0 [hbm:s6], $0xF7A  }
0x23: {  	s9 =	sor.u32 $0xD0000000, s2;
	s6 =	simm.s32 $0x108;
	_ =	swait.ge @!p0 [sflag:s8], $0x0  }
0x24: {  	s3 =	sadd.s32 $0x88, s3;
	s6 =	simm.s32 @!p1 $0x1082;
	[sflag:s4] =	ssyncset.s32 $0xFFFFF086  }
0x25: {  	[simem:s6], [sflag:s4] =	dma.local [hbm:s3], $0xF7A  }
0x26: {  	[smem:$0x3FA0] =	sst s1;
	(tag) =	ssettag s2;
	_ =	strace s9  }
0x27: {  	s1 =	sld [smem:$0x3FB0]  }
0x28: {  	s2 =	sld [smem:$0x3FB1]  }
0x29: {  	s4 =	sld [smem:$0x3FB3]  }
0x2a: {  	p0 =	seq.s32 s5, $0x0;
	s5 =	sld [smem:$0x3FB4]  }
0x2b: {  	s6 =	sld [smem:$0x3FB5]  }
0x2c: {  	s7 =	sld [smem:$0x3FB6]  }
0x2d: {  	s3 =	simm.s32 $0x108;
	s8 =	sld [smem:$0x3FB7]  }
0x2e: {  	s3 =	simm.s32 @!p0 $0x1082;
	s9 =	sld [smem:$0x3FB8]  }
0x2f: {  	lr =	sadd.s32 s0, s3;
	s0 =	sld [smem:$0x3FAF]  }
0x30: {  	s3 =	sld [smem:$0x3FB2]  }
0x31: {  	[smem:$0x3FBB] =	sst s10  }
0x32: {  	s10 =	sld [smem:$0x3FB9];
	_ =	sdelay $0x3  }
0x33: {  	p0 =	seq.s32 s10, $0x1;
	s10 =	sld [smem:$0x3FBB];
	_ =	sdelay $0x3  }
0x34: {  	[smem:$0x3FBB] =	sst s10  }
0x35: {  	s10 =	sld [smem:$0x3FBA];
	_ =	sdelay $0x3  }
0x36: {  	p1 =	seq.s32 s10, $0x1;
	s10 =	sld [smem:$0x3FBB];
	_ =	sdelay $0x3  }
0x37: {  	[smem:$0x3FBB] =	sst s10  }
0x38: {  	s10 =	sld [smem:$0x3FBC]  }
0x39: {  	_ = 	snop;
	(pc) =	sbr.ind lr, $3  }
0x3a: {  	_ = 	snop  }
0x3b: {  	_ = 	snop  }
0x3c: {  	p2 =	seq.s32 s10, $0x1;
	s10 =	sld [smem:$0x3FBB]  }
0x3d: {  	_ =	shalt  }
0x3e: {  	_ =	shalt  }
0x3f: {  	_ =	shalt  }
0x40: {  	_ =	shalt  }
0x41: {  	_ =	shalt  }
0x42: {  	_ =	shalt  }
0x43: {  	_ =	shalt  }
0x44: {  	_ =	shalt  }
0x45: {  	_ =	shalt  }
0x46: {  	_ =	shalt  }
0x47: {  	_ =	shalt  }
0x48: {  	_ =	shalt  }
0x49: {  	_ =	shalt  }
0x4a: {  	_ =	shalt  }
0x4b: {  	_ =	shalt  }
0x4c: {  	_ =	shalt  }
0x4d: {  	_ =	shalt  }
0x4e: {  	_ =	shalt  }
0x4f: {  	_ =	shalt  }
0x50: {  	_ =	shalt  }
0x51: {  	_ =	shalt  }
0x52: {  	_ =	shalt  }
0x53: {  	_ =	shalt  }
0x54: {  	_ =	shalt  }
0x55: {  	_ =	shalt  }
0x56: {  	_ =	shalt  }
0x57: {  	_ =	shalt  }
0x58: {  	_ =	shalt  }
0x59: {  	_ =	shalt  }
0x5a: {  	_ =	shalt  }
0x5b: {  	_ =	shalt  }
0x5c: {  	_ =	shalt  }
0x5d: {  	_ =	shalt  }
0x5e: {  	_ =	shalt  }
0x5f: {  	_ =	shalt  }
0x60: {  	_ =	shalt  }
0x61: {  	_ =	shalt  }
0x62: {  	_ =	shalt  }
0x63: {  	_ =	shalt  }
0x64: {  	_ =	shalt  }
0x65: {  	_ =	shalt  }
0x66: {  	_ =	shalt  }
0x67: {  	_ =	shalt  }
0x68: {  	_ =	shalt  }
0x69: {  	_ =	shalt  }
0x6a: {  	_ =	shalt  }
0x6b: {  	_ =	shalt  }
0x6c: {  	_ =	shalt  }
0x6d: {  	_ =	shalt  }
0x6e: {  	_ =	shalt  }
0x6f: {  	_ =	shalt  }
0x70: {  	_ =	shalt  }
0x71: {  	_ =	shalt  }
0x72: {  	_ =	shalt  }
0x73: {  	_ =	shalt  }
0x74: {  	_ =	shalt  }
0x75: {  	_ =	shalt  }
0x76: {  	_ =	shalt  }
0x77: {  	_ =	shalt  }
0x78: {  	_ =	shalt  }
0x79: {  	_ =	shalt  }
0x7a: {  	_ =	shalt  }
0x7b: {  	_ =	shalt  }
0x7c: {  	_ =	shalt  }
0x7d: {  	_ =	shalt  }
0x7e: {  	_ =	shalt  }
0x7f: {  	_ =	shalt  }
0x80: {  	_ =	shalt  }
0x81: {  	_ =	shalt  }
0x82: {  	_ =	shalt  }
0x83: {  	_ =	shalt  }
0x84: {  	_ =	shalt  }
0x85: {  	_ =	shalt  }
0x86: {  	_ =	shalt  }
0x87: {  	_ =	shalt  }
.Lfunc_end0:
.L_simem_size_0:
called_computation_lowered:
.L_overlay_start_0:
0x88: {  	s2 =	sld [smem:$0x3FD9]  }
0x89: {  	s3 =	sld [smem:$0x3FFE];
	_ =	sdelay $0x1  }
0x8a: {  	s1 =	srdreg.scid  }
0x8b: {  	s0 =	sand.u32 $0x1, s1  }
0x8c: {  	s17 =	sshll.u32 s0, $0xA;
	s2 =	sadd.s32 s3, s2  }
0x8d: {  	s2 =	sadd.s32 s2, s17  }
0x8e: {  	[smem:$0x3FC7] =	sst s2  }
0x8f: {  	_ = 	snop  }
0x90: {  	s2 =	sld [smem:$0x3FC9]  }
0x91: {  	s18 =	sld [smem:$0x3FD0];
	(tm) =	ssettm $0x1  }
0x92: {  	s4 =	sld [smem:$0x3FFB];
	_ =	sdelay $0x3  }
0x93: {  	_ =	strace s4  }
0x94: {  	s4 =	sld [smem:$0x3FFC];
	_ =	sdelay $0x3  }
0x95: {  	_ =	strace s4  }
0x96: {  	s4 =	sld [smem:$0x3FFD];
	_ =	sdelay $0x3  }
0x97: {  	_ =	strace s4  }
0x98: {  	_ =	strace $0x8FFFFFFF  }
0x99: {  	s19 =	sld [smem:$0x3FDB];
	_ =	sdelay $0x1  }
0x9a: {  	s5 =	simm.s32 $_scs_section_size  }
0x9b: {  	s6 =	simm.s32 $_size__tile_overlayer_lowered;
	s7 =	simm.s32 $_tile_overlayer_lowered  }
0x9c: {  	s22 =	simm.s32 $0x1BFF;
	s21 =	sshll.u32 s7, $0x1;
	s4 =	sadd.s32 s5, s19  }
0x9d: {  	s8 =	simm.s32 $0x0;
	s20 =	sshll.u32 s6, $0x1;
	s6 =	sadd.s32 s21, s4  }
0x9e: {  	[timem:s8], [sflag:s22] =	dma.local [hbm:s6], s20  }
0x9f: {  	_ =	swait.ge [sflag:s22], s20  }
0xa0: {  	s5 =	ssub.s32 $0x0, s20;
	[sflag:s22] =	ssyncset.done $0x0  }
0xa1: {  	[sflag:s22] =	ssyncadd.s32 s5;
	_ =	sdelay $0x1  }
0xa2: {  	s23 =	simm.s32 $0x1B8B  }
0xa3: {  	_ =	swait.ge [sflag:s23], $0x1  }
0xa4: {  	[sflag:s23] =	ssyncset.done $0x0  }
0xa5: {  	s25 =	simm.s32 $0x1B8E;
	s24 =	sld [smem:$0x3FFE];
	[sflag:s23] =	ssyncadd.s32 $0xFFFFFFFF  }
0xa6: {  	s26 =	simm.s32 $execute0_lowered;
	[smem:$0x3FD2] =	sst s25  }
0xa7: {  	s6 =	sshll.u32 s26, $0x1;
	_ =	strace $0x80000046;
	[dreg:$0x1] =	wrdreg $0xFFFFFFFF  }
0xa8: {  	s28 =	simm.s32 $_size_execute0_lowered;
	s4 =	sadd.s32 s4, s6;
	[dreg:$0x0] =	wrdreg $0x0  }
0xa9: {  	s6 =	sshll.u32 s28, $0x1;
	[dreg:$0x2] =	wrdreg s4  }
0xaa: {  	[dreg:$0x3] =	wrdreg s6  }
0xab: {  	[dreg:$0x4] =	wrdreg $0xC0  }
0xac: {  	_ =	task [dreg:s8], $0x5FFFF  }
0xad: {  	[dreg:$0x1] =	wrdreg $0xFFFFFFFF  }
0xae: {  	[dreg:$0x0] =	wrdreg $0x60  }
0xaf: {  	[dreg:$0x2] =	wrdreg s2  }
0xb0: {  	[dreg:$0x3] =	wrdreg s24  }
0xb1: {  	[dreg:$0x4] =	wrdreg s18  }
0xb2: {  	[dreg:$0x5] =	wrdreg $0x9  }
0xb3: {  	_ =	task.clear_ibuf [dreg:s8], $0x6FFFF;
	_ =	strace $0x90000046  }
0xb4: {  	s29 =	simm.s32 $0x9;
	_ =	strace $0x80000048  }
0xb5: {  	_ =	swait.ge [sflag:s29], $0x1  }
0xb6: {  	[sflag:s29] =	ssyncadd.s32 $0xFFFFFFFF  }
0xb7: {  	_ =	strace $0x90000048  }
0xb8: {  	_ =	sfence  }
0xb9: {  	s30 =	sld [smem:$0x0];
	_ =	sdelay $0x2  }
0xba: {  	s31 =	sshll.u32 s1, $0xD;
	s1 =	sshrl.u32 s1, $0x2  }
0xbb: {  	s3 =	sand.u32 $0x4000, s31;
	s1 =	sadd.s32 s1, s30  }
0xbc: {  	s0 =	sor.u32 s3, s0;
	s1 =	sshll.u32 s1, $0x11  }
0xbd: {  	s0 =	sor.u32 s1, s0  }
0xbe: {  	s0 =	sadd.s32 $0x8F2B, s0  }
0xbf: {  	[sflag:s0] =	ssyncadd.remote.s32 $0x1  }
0xc0: {  	_ =	sfence.sel $0xFFFF  }
0xc1: {  	[dreg:$0x0] =	wrdreg $0xFFFFFFFF;
	(pc) =	sbr.abs _section_cstart, $3  }
0xc2: {  	[dreg:$0x1] =	wrdreg $0xFFFFFFFF  }
0xc3: {  	_ =	task.clear_ibuf [dreg:s8], $0x2FFFF;
	_ =	strace $0x9FFFFFFF  }
0xc4: {  	(tm) =	ssettm $0x7FFFFFFF  }
0xc5: {  	_ =	shalt  }
tec
execute0_lowered:
.L_overlay_start_1:
0x0: {  	(tag) =	ssettag $0x1  }
0x1: {  	s1 =	rddreg [dreg:$0x0]  }
0x2: {  	s0 =	srdreg.scid;
	s2 =	rddreg [dreg:$0x1]  }
0x3: {  	s3 =	stileid.u32;
	s5 =	rddreg [dreg:$0x2];
	s10 =	simm.s32 $0x1  }
0x4: {  	s12 =	simm.s32 $0x2;
	s14 =	simm.s32 $0x900;
	s15 =	simm.s32 $0x1100  }
0x5: {  	s16 =	simm.s32 $0x1900;
	s17 =	simm.s32 $0x2100;
	s18 =	simm.s32 $0x2900  }
0x6: {  	s19 =	simm.s32 $0x3100;
	s20 =	simm.s32 $0x3900;
	s21 =	simm.s32 $0x4100  }
0x7: {  	s28 =	simm.s32 $0x7100;
	s29 =	simm.s32 $0x7900;
	s30 =	simm.s32 $0x8100  }
0x8: {  	s31 =	simm.s32 $0x8900;
	s11 =	simm.s32 $0xA100;
	s0 =	sand.u32 $0x1, s0  }
0x9: {  	s9 =	simm.s32 $0xB100;
	s3 =	sshll.u32 s3, $0x6;
	s4 =	sshll.u32 s0, $0x5  }
0xa: {  	s0 =	ssub.s32 $0x2, s0;
	s4 =	sor.u32 s4, s3;
	s3 =	simm.s32 $0x0  }
0xb: {  	s22 =	sshrl.u32 s0, $0x1;
	s6 =	smul.u32 $0x300, s4;
	[smem:$0x7FF] =	sst s3  }
0xc: {  	s7 =	smul.u32 $0x1800, s4;
	s2 =	sadd.s32 s4, s2;
	s0 =	ssub.s32 s0, s22  }
0xd: {  	s22 =	simm.s32 $0x4900;
	s4 =	simm.s32 $0x9900;
	_ =	strace $0x80000047  }
0xe: {  	s2 =	sadd.s32 $0x800, s2;
	s8 =	sadd.s32 s5, s6;
	s23 =	sshrl.u32 s7, $0x3  }
0xf: {  	[dreg:$0x4] =	wrdreg s2;
	s7 =	smax.u32 s0, $0x1;
	s2 =	simm.s32 $0xC100  }
0x10: {  	[dreg:$0x8] =	wrdreg s8;
	s24 =	sadd.s32 $0x1800, s8;
	s6 =	sadd.s32 s5, s23  }
0x11: {  	s5 =	sadd.s32 $0x100, s1;
	s23 =	simm.s32 $0x5100;
	s8 =	simm.s32 $0xA900  }
0x12: {  	v2 =	vlaneseq.u32;
	[dreg:$0x5] =	wrdreg s24;
	s25 =	sadd.s32 $0x3000, s6;
	s26 =	sadd.s32 $0x4800, s6  }
0x13: {  	vm0 =	vmmov $0xffff;
	v1 =	vshrl.u32 v2, $0x3;
	s6 =	sadd.s32 $0x200, s1;
	s24 =	simm.s32 $0x5900;
	[dreg:$0x6] =	wrdreg s25  }
0x14: {  	v0 =	vand.u32 $0x7, v2;
	v2 =	vor.u32 $0x8, v2;
	v1 =	vmul.u32 $0x8, v1;
	[dreg:$0x7] =	wrdreg s26;
	s25 =	simm.s32 $0x6100;
	s26 =	simm.s32 $0x6900  }
.LBB2_1:
0x15: {  	s13 =	rddreg [dreg:$0x4];
	s0 =	simm.s32 $0x3  }
0x16: {  	[tilespmem:s3], [sflag:$0x3] =	stream.linear.gather [hbm4b:s13+s3], $0x100, $0x38;
	[tilespmem:$0x18100] =	vst v63  }
0x17: {  	_ =	swait.ge [sflag:s0], $0x100  }
0x18: {  	[sflag:s0] =	ssyncset.done $0x0  }
0x19: {  	[sflag:s0] =	ssyncadd.s32 $0xFFFFFF00  }
0x1a: {  	v3 =	vld [tilespmem:$0x0];
	_ =	sdelay $0x4  }
0x1b: {  	v4 =	vshrl.u32 v3, $0x3  }
0x1c: {  	v4 =	vmul.u32 $0x30, v4  }
0x1d: {  	v3 =	vand.u32 $0x7, v3  }
0x1e: {  	v3 =	vor.u32 v3, v4  }
0x1f: {  	v4 =	vperm.xlane v3, v0;
	_ =	sdelay $0x1  }
0x20: {  	v4 =	vadd.s32 v1, v4;
	_ =	sdelay $0x3  }
0x21: {  	s13 =	simm.s32 $0x100;
	v3 =	vperm.xlane v3, v2  }
0x22: {  	[tilespmem:s13], [sflag:$0x1] =	stream.indirect_vreg.gather [hbm4b:s1+s3], $0x80, v4, vm0, $0xb8;
	[tilespmem:$0x18100] =	vst v63  }
0x23: {  	v3 =	vadd.s32 v1, v3  }
0x24: {  	[tilespmem:s14], [sflag:$0x1] =	stream.indirect_vreg.gather [hbm4b:s5+s3], $0x80, v4, vm0, $0xb8;
	[tilespmem:$0x18100] =	vst v63  }
0x25: {  	_ = 	snop  }
0x26: {  	[tilespmem:s15], [sflag:$0x1] =	stream.indirect_vreg.gather [hbm4b:s6+s3], $0x80, v4, vm0, $0xb8;
	[tilespmem:$0x18100] =	vst v63  }
0x27: {  	_ = 	snop  }
0x28: {  	[tilespmem:s16], [sflag:$0x1] =	stream.indirect_vreg.gather [hbm4b:s1+s3], $0x80, v3, vm0, $0xb8;
	[tilespmem:$0x18100] =	vst v63  }
0x29: {  	_ = 	snop  }
0x2a: {  	[tilespmem:s17], [sflag:$0x1] =	stream.indirect_vreg.gather [hbm4b:s5+s3], $0x80, v3, vm0, $0xb8;
	[tilespmem:$0x18100] =	vst v63  }
0x2b: {  	_ = 	snop  }
0x2c: {  	[tilespmem:s18], [sflag:$0x1] =	stream.indirect_vreg.gather [hbm4b:s6+s3], $0x80, v3, vm0, $0xb8;
	[tilespmem:$0x18100] =	vst v63  }
0x2d: {  	v3 =	vld [tilespmem:$0x10];
	_ =	sdelay $0x4  }
0x2e: {  	v49 =	vshrl.u32 v3, $0x3  }
0x2f: {  	v4 =	vmul.u32 $0x30, v49  }
0x30: {  	v3 =	vand.u32 $0x7, v3  }
0x31: {  	v3 =	vor.u32 v3, v4  }
0x32: {  	v4 =	vperm.xlane v3, v0;
	_ =	sdelay $0x1  }
0x33: {  	v4 =	vadd.s32 v1, v4;
	_ =	sdelay $0x3  }
0x34: {  	v3 =	vperm.xlane v3, v2  }
0x35: {  	[tilespmem:s19], [sflag:$0x1] =	stream.indirect_vreg.gather [hbm4b:s1+s3], $0x80, v4, vm0, $0xb8;
	[tilespmem:$0x18100] =	vst v63  }
0x36: {  	v3 =	vadd.s32 v1, v3  }
0x37: {  	[tilespmem:s20], [sflag:$0x1] =	stream.indirect_vreg.gather [hbm4b:s5+s3], $0x80, v4, vm0, $0xb8;
	[tilespmem:$0x18100] =	vst v63  }
0x38: {  	_ = 	snop  }
0x39: {  	[tilespmem:s21], [sflag:$0x1] =	stream.indirect_vreg.gather [hbm4b:s6+s3], $0x80, v4, vm0, $0xb8;
	[tilespmem:$0x18100] =	vst v63  }
0x3a: {  	_ = 	snop  }
0x3b: {  	[tilespmem:s22], [sflag:$0x1] =	stream.indirect_vreg.gather [hbm4b:s1+s3], $0x80, v3, vm0, $0xb8;
	[tilespmem:$0x18100] =	vst v63  }
0x3c: {  	_ = 	snop  }
0x3d: {  	[tilespmem:s23], [sflag:$0x1] =	stream.indirect_vreg.gather [hbm4b:s5+s3], $0x80, v3, vm0, $0xb8;
	[tilespmem:$0x18100] =	vst v63  }
0x3e: {  	_ = 	snop  }
0x3f: {  	[tilespmem:s24], [sflag:$0x1] =	stream.indirect_vreg.gather [hbm4b:s6+s3], $0x80, v3, vm0, $0xb8;
	[tilespmem:$0x18100] =	vst v63  }
0x40: {  	v3 =	vld [tilespmem:$0x20];
	_ =	sdelay $0x4  }
0x41: {  	v50 =	vshrl.u32 v3, $0x3  }
0x42: {  	v4 =	vmul.u32 $0x30, v50  }
0x43: {  	v3 =	vand.u32 $0x7, v3  }
0x44: {  	v3 =	vor.u32 v3, v4  }
0x45: {  	v4 =	vperm.xlane v3, v0;
	_ =	sdelay $0x1  }
0x46: {  	v4 =	vadd.s32 v1, v4;
	_ =	sdelay $0x3  }
0x47: {  	v3 =	vperm.xlane v3, v2  }
0x48: {  	[tilespmem:s25], [sflag:$0x1] =	stream.indirect_vreg.gather [hbm4b:s1+s3], $0x80, v4, vm0, $0xb8;
	[tilespmem:$0x18100] =	vst v63  }
0x49: {  	v3 =	vadd.s32 v1, v3  }
0x4a: {  	[tilespmem:s26], [sflag:$0x1] =	stream.indirect_vreg.gather [hbm4b:s5+s3], $0x80, v4, vm0, $0xb8;
	[tilespmem:$0x18100] =	vst v63  }
0x4b: {  	_ = 	snop  }
0x4c: {  	[tilespmem:s28], [sflag:$0x1] =	stream.indirect_vreg.gather [hbm4b:s6+s3], $0x80, v4, vm0, $0xb8;
	[tilespmem:$0x18100] =	vst v63  }
0x4d: {  	_ = 	snop  }
0x4e: {  	[tilespmem:s29], [sflag:$0x1] =	stream.indirect_vreg.gather [hbm4b:s1+s3], $0x80, v3, vm0, $0xb8;
	[tilespmem:$0x18100] =	vst v63  }
0x4f: {  	_ = 	snop  }
0x50: {  	[tilespmem:s30], [sflag:$0x1] =	stream.indirect_vreg.gather [hbm4b:s5+s3], $0x80, v3, vm0, $0xb8;
	[tilespmem:$0x18100] =	vst v63  }
0x51: {  	_ = 	snop  }
0x52: {  	[tilespmem:s31], [sflag:$0x1] =	stream.indirect_vreg.gather [hbm4b:s6+s3], $0x80, v3, vm0, $0xb8;
	[tilespmem:$0x18100] =	vst v63  }
0x53: {  	v3 =	vld [tilespmem:$0x30];
	_ =	sdelay $0x4  }
0x54: {  	v51 =	vshrl.u32 v3, $0x3  }
0x55: {  	v4 =	vmul.u32 $0x30, v51  }
0x56: {  	v3 =	vand.u32 $0x7, v3  }
0x57: {  	v3 =	vor.u32 v3, v4  }
0x58: {  	v4 =	vperm.xlane v3, v0;
	_ =	sdelay $0x1  }
0x59: {  	v4 =	vadd.s32 v1, v4;
	_ =	sdelay $0x3  }
0x5a: {  	s13 =	simm.s32 $0x9100;
	v3 =	vperm.xlane v3, v2  }
0x5b: {  	[tilespmem:s13], [sflag:$0x1] =	stream.indirect_vreg.gather [hbm4b:s1+s3], $0x80, v4, vm0, $0xb8;
	[tilespmem:$0x18100] =	vst v63  }
0x5c: {  	v3 =	vadd.s32 v1, v3  }
0x5d: {  	[tilespmem:s4], [sflag:$0x1] =	stream.indirect_vreg.gather [hbm4b:s5+s3], $0x80, v4, vm0, $0xb8;
	[tilespmem:$0x18100] =	vst v63  }
0x5e: {  	_ = 	snop  }
0x5f: {  	[tilespmem:s11], [sflag:$0x1] =	stream.indirect_vreg.gather [hbm4b:s6+s3], $0x80, v4, vm0, $0xb8;
	[tilespmem:$0x18100] =	vst v63  }
0x60: {  	_ = 	snop  }
0x61: {  	[tilespmem:s8], [sflag:$0x1] =	stream.indirect_vreg.gather [hbm4b:s1+s3], $0x80, v3, vm0, $0xb8;
	[tilespmem:$0x18100] =	vst v63  }
0x62: {  	_ = 	snop  }
0x63: {  	[tilespmem:s9], [sflag:$0x1] =	stream.indirect_vreg.gather [hbm4b:s5+s3], $0x80, v3, vm0, $0xb8;
	[tilespmem:$0x18100] =	vst v63  }
0x64: {  	s13 =	simm.s32 $0xB900  }
0x65: {  	[tilespmem:s13], [sflag:$0x1] =	stream.indirect_vreg.gather [hbm4b:s6+s3], $0x80, v3, vm0, $0xb8;
	[tilespmem:$0x18100] =	vst v63  }
0x66: {  	_ =	swait.ge [sflag:s10], $0xC000  }
0x67: {  	[sflag:s10] =	ssyncset.done $0x0  }
0x68: {  	[sflag:s10] =	ssyncadd.s32 $0xFFFF4000  }
0x69: {  	v3 =	vld [tilespmem:$0x40];
	_ =	sdelay $0x4  }
0x6a: {  	v52 =	vshrl.u32 v3, $0x3  }
0x6b: {  	v4 =	vmul.u32 $0x30, v52  }
0x6c: {  	v3 =	vand.u32 $0x7, v3  }
0x6d: {  	v3 =	vor.u32 v3, v4  }
0x6e: {  	v4 =	vperm.xlane v3, v0;
	_ =	sdelay $0x1  }
0x6f: {  	v4 =	vadd.s32 v1, v4;
	_ =	sdelay $0x3  }
0x70: {  	v3 =	vperm.xlane v3, v2  }
0x71: {  	[tilespmem:s2], [sflag:$0x1] =	stream.indirect_vreg.gather [hbm4b:s1+s3], $0x80, v4, vm0, $0xb8;
	[tilespmem:$0x18100] =	vst v63  }
0x72: {  	s13 =	simm.s32 $0xC900;
	v3 =	vadd.s32 v1, v3  }
0x73: {  	[tilespmem:s13], [sflag:$0x1] =	stream.indirect_vreg.gather [hbm4b:s5+s3], $0x80, v4, vm0, $0xb8;
	[tilespmem:$0x18100] =	vst v63  }
0x74: {  	s13 =	simm.s32 $0xD100  }
0x75: {  	[tilespmem:s13], [sflag:$0x1] =	stream.indirect_vreg.gather [hbm4b:s6+s3], $0x80, v4, vm0, $0xb8;
	[tilespmem:$0x18100] =	vst v63  }
0x76: {  	s13 =	simm.s32 $0xD900  }
0x77: {  	[tilespmem:s13], [sflag:$0x1] =	stream.indirect_vreg.gather [hbm4b:s1+s3], $0x80, v3, vm0, $0xb8;
	[tilespmem:$0x18100] =	vst v63  }
0x78: {  	s13 =	simm.s32 $0xE100  }
0x79: {  	[tilespmem:s13], [sflag:$0x1] =	stream.indirect_vreg.gather [hbm4b:s5+s3], $0x80, v3, vm0, $0xb8;
	[tilespmem:$0x18100] =	vst v63  }
0x7a: {  	s13 =	simm.s32 $0xE900  }
0x7b: {  	[tilespmem:s13], [sflag:$0x1] =	stream.indirect_vreg.gather [hbm4b:s6+s3], $0x80, v3, vm0, $0xb8;
	[tilespmem:$0x18100] =	vst v63  }
0x7c: {  	v3 =	vld [tilespmem:$0x50];
	_ =	sdelay $0x4  }
0x7d: {  	v53 =	vshrl.u32 v3, $0x3  }
0x7e: {  	v4 =	vmul.u32 $0x30, v53  }
0x7f: {  	v3 =	vand.u32 $0x7, v3  }
0x80: {  	v3 =	vor.u32 v3, v4  }
0x81: {  	v4 =	vperm.xlane v3, v0;
	_ =	sdelay $0x1  }
0x82: {  	v4 =	vadd.s32 v1, v4;
	_ =	sdelay $0x3  }
0x83: {  	s13 =	simm.s32 $0xF100;
	v3 =	vperm.xlane v3, v2  }
0x84: {  	[tilespmem:s13], [sflag:$0x1] =	stream.indirect_vreg.gather [hbm4b:s1+s3], $0x80, v4, vm0, $0xb8;
	[tilespmem:$0x18100] =	vst v63  }
0x85: {  	v3 =	vadd.s32 v1, v3;
	s13 =	simm.s32 $0xF900  }
0x86: {  	[tilespmem:s13], [sflag:$0x1] =	stream.indirect_vreg.gather [hbm4b:s5+s3], $0x80, v4, vm0, $0xb8;
	[tilespmem:$0x18100] =	vst v63  }
0x87: {  	s13 =	simm.s32 $0x10100  }
0x88: {  	[tilespmem:s13], [sflag:$0x1] =	stream.indirect_vreg.gather [hbm4b:s6+s3], $0x80, v4, vm0, $0xb8;
	[tilespmem:$0x18100] =	vst v63  }
0x89: {  	s13 =	simm.s32 $0x10900  }
0x8a: {  	[tilespmem:s13], [sflag:$0x1] =	stream.indirect_vreg.gather [hbm4b:s1+s3], $0x80, v3, vm0, $0xb8;
	[tilespmem:$0x18100] =	vst v63  }
0x8b: {  	s13 =	simm.s32 $0x11100  }
0x8c: {  	[tilespmem:s13], [sflag:$0x1] =	stream.indirect_vreg.gather [hbm4b:s5+s3], $0x80, v3, vm0, $0xb8;
	[tilespmem:$0x18100] =	vst v63  }
0x8d: {  	s13 =	simm.s32 $0x11900  }
0x8e: {  	[tilespmem:s13], [sflag:$0x1] =	stream.indirect_vreg.gather [hbm4b:s6+s3], $0x80, v3, vm0, $0xb8;
	[tilespmem:$0x18100] =	vst v63  }
0x8f: {  	v3 =	vld [tilespmem:$0x60];
	_ =	sdelay $0x4  }
0x90: {  	v54 =	vshrl.u32 v3, $0x3  }
0x91: {  	v4 =	vmul.u32 $0x30, v54  }
0x92: {  	v3 =	vand.u32 $0x7, v3  }
0x93: {  	v3 =	vor.u32 v3, v4  }
0x94: {  	v4 =	vperm.xlane v3, v0;
	_ =	sdelay $0x1  }
0x95: {  	v4 =	vadd.s32 v1, v4;
	_ =	sdelay $0x3  }
0x96: {  	s13 =	simm.s32 $0x12100;
	v3 =	vperm.xlane v3, v2  }
0x97: {  	[tilespmem:s13], [sflag:$0x1] =	stream.indirect_vreg.gather [hbm4b:s1+s3], $0x80, v4, vm0, $0xb8;
	[tilespmem:$0x18100] =	vst v63  }
0x98: {  	v3 =	vadd.s32 v1, v3;
	s13 =	simm.s32 $0x12900  }
0x99: {  	[tilespmem:s13], [sflag:$0x1] =	stream.indirect_vreg.gather [hbm4b:s5+s3], $0x80, v4, vm0, $0xb8;
	[tilespmem:$0x18100] =	vst v63  }
0x9a: {  	s13 =	simm.s32 $0x13100  }
0x9b: {  	[tilespmem:s13], [sflag:$0x1] =	stream.indirect_vreg.gather [hbm4b:s6+s3], $0x80, v4, vm0, $0xb8;
	[tilespmem:$0x18100] =	vst v63  }
0x9c: {  	s13 =	simm.s32 $0x13900  }
0x9d: {  	[tilespmem:s13], [sflag:$0x1] =	stream.indirect_vreg.gather [hbm4b:s1+s3], $0x80, v3, vm0, $0xb8;
	[tilespmem:$0x18100] =	vst v63  }
0x9e: {  	s13 =	simm.s32 $0x14100  }
0x9f: {  	[tilespmem:s13], [sflag:$0x1] =	stream.indirect_vreg.gather [hbm4b:s5+s3], $0x80, v3, vm0, $0xb8;
	[tilespmem:$0x18100] =	vst v63  }
0xa0: {  	s13 =	simm.s32 $0x14900  }
0xa1: {  	[tilespmem:s13], [sflag:$0x1] =	stream.indirect_vreg.gather [hbm4b:s6+s3], $0x80, v3, vm0, $0xb8;
	[tilespmem:$0x18100] =	vst v63  }
0xa2: {  	v3 =	vld [tilespmem:$0x70];
	_ =	sdelay $0x4  }
0xa3: {  	v55 =	vshrl.u32 v3, $0x3  }
0xa4: {  	v4 =	vmul.u32 $0x30, v55  }
0xa5: {  	v3 =	vand.u32 $0x7, v3  }
0xa6: {  	v3 =	vor.u32 v3, v4  }
0xa7: {  	v4 =	vperm.xlane v3, v0;
	_ =	sdelay $0x1  }
0xa8: {  	v4 =	vadd.s32 v1, v4;
	_ =	sdelay $0x3  }
0xa9: {  	s13 =	simm.s32 $0x15100;
	v3 =	vperm.xlane v3, v2  }
0xaa: {  	[tilespmem:s13], [sflag:$0x1] =	stream.indirect_vreg.gather [hbm4b:s1+s3], $0x80, v4, vm0, $0xb8;
	[tilespmem:$0x18100] =	vst v63  }
0xab: {  	v3 =	vadd.s32 v1, v3;
	s13 =	simm.s32 $0x15900  }
0xac: {  	[tilespmem:s13], [sflag:$0x1] =	stream.indirect_vreg.gather [hbm4b:s5+s3], $0x80, v4, vm0, $0xb8;
	[tilespmem:$0x18100] =	vst v63  }
0xad: {  	s13 =	simm.s32 $0x16100  }
0xae: {  	[tilespmem:s13], [sflag:$0x1] =	stream.indirect_vreg.gather [hbm4b:s6+s3], $0x80, v4, vm0, $0xb8;
	[tilespmem:$0x18100] =	vst v63  }
0xaf: {  	s13 =	simm.s32 $0x16900  }
0xb0: {  	[tilespmem:s13], [sflag:$0x1] =	stream.indirect_vreg.gather [hbm4b:s1+s3], $0x80, v3, vm0, $0xb8;
	[tilespmem:$0x18100] =	vst v63  }
0xb1: {  	s13 =	simm.s32 $0x17100  }
0xb2: {  	[tilespmem:s13], [sflag:$0x1] =	stream.indirect_vreg.gather [hbm4b:s5+s3], $0x80, v3, vm0, $0xb8;
	[tilespmem:$0x18100] =	vst v63  }
0xb3: {  	s13 =	simm.s32 $0x17900  }
0xb4: {  	[tilespmem:s13], [sflag:$0x1] =	stream.indirect_vreg.gather [hbm4b:s6+s3], $0x80, v3, vm0, $0xb8;
	[tilespmem:$0x18100] =	vst v63  }
0xb5: {  	s0 =	simm.s32 $0x100;
	s13 =	rddreg [dreg:$0x8]  }
0xb6: {  	[hbm4b:s13+s3] =	stream.linear.scatter [tilespmem:s0], [sflag:$0x2], $0xC000, $0x38;
	[tilespmem:$0x18100] =	vst v63  }
0xb7: {  	_ =	swait.ge [sflag:s10], $0xC000  }
0xb8: {  	[sflag:s10] =	ssyncset.done $0x0  }
0xb9: {  	[sflag:s10] =	ssyncadd.s32 $0xFFFF4000  }
0xba: {  	_ =	swait.ge [sflag:s12], $0xC000  }
0xbb: {  	[sflag:s12] =	ssyncset.done $0x0  }
0xbc: {  	[sflag:s12] =	ssyncadd.s32 $0xFFFF4000  }
0xbd: {  	v3 =	vld [tilespmem:$0x80];
	_ =	sdelay $0x4  }
0xbe: {  	v56 =	vshrl.u32 v3, $0x3  }
0xbf: {  	v4 =	vmul.u32 $0x30, v56  }
0xc0: {  	v3 =	vand.u32 $0x7, v3  }
0xc1: {  	v3 =	vor.u32 v3, v4  }
0xc2: {  	v4 =	vperm.xlane v3, v0;
	_ =	sdelay $0x1  }
0xc3: {  	v4 =	vadd.s32 v1, v4;
	_ =	sdelay $0x3  }
0xc4: {  	v3 =	vperm.xlane v3, v2  }
0xc5: {  	[tilespmem:s0], [sflag:$0x1] =	stream.indirect_vreg.gather [hbm4b:s1+s3], $0x80, v4, vm0, $0xb8;
	[tilespmem:$0x18100] =	vst v63  }
0xc6: {  	v3 =	vadd.s32 v1, v3  }
0xc7: {  	[tilespmem:s14], [sflag:$0x1] =	stream.indirect_vreg.gather [hbm4b:s5+s3], $0x80, v4, vm0, $0xb8;
	[tilespmem:$0x18100] =	vst v63  }
0xc8: {  	_ = 	snop  }
0xc9: {  	[tilespmem:s15], [sflag:$0x1] =	stream.indirect_vreg.gather [hbm4b:s6+s3], $0x80, v4, vm0, $0xb8;
	[tilespmem:$0x18100] =	vst v63  }
0xca: {  	_ = 	snop  }
0xcb: {  	[tilespmem:s16], [sflag:$0x1] =	stream.indirect_vreg.gather [hbm4b:s1+s3], $0x80, v3, vm0, $0xb8;
	[tilespmem:$0x18100] =	vst v63  }
0xcc: {  	_ = 	snop  }
0xcd: {  	[tilespmem:s17], [sflag:$0x1] =	stream.indirect_vreg.gather [hbm4b:s5+s3], $0x80, v3, vm0, $0xb8;
	[tilespmem:$0x18100] =	vst v63  }
0xce: {  	_ = 	snop  }
0xcf: {  	[tilespmem:s18], [sflag:$0x1] =	stream.indirect_vreg.gather [hbm4b:s6+s3], $0x80, v3, vm0, $0xb8;
	[tilespmem:$0x18100] =	vst v63  }
0xd0: {  	v3 =	vld [tilespmem:$0x90];
	_ =	sdelay $0x4  }
0xd1: {  	v57 =	vshrl.u32 v3, $0x3  }
0xd2: {  	v4 =	vmul.u32 $0x30, v57  }
0xd3: {  	v3 =	vand.u32 $0x7, v3  }
0xd4: {  	v3 =	vor.u32 v3, v4  }
0xd5: {  	v4 =	vperm.xlane v3, v0;
	_ =	sdelay $0x1  }
0xd6: {  	v4 =	vadd.s32 v1, v4;
	_ =	sdelay $0x3  }
0xd7: {  	v3 =	vperm.xlane v3, v2  }
0xd8: {  	[tilespmem:s19], [sflag:$0x1] =	stream.indirect_vreg.gather [hbm4b:s1+s3], $0x80, v4, vm0, $0xb8;
	[tilespmem:$0x18100] =	vst v63  }
0xd9: {  	v3 =	vadd.s32 v1, v3  }
0xda: {  	[tilespmem:s20], [sflag:$0x1] =	stream.indirect_vreg.gather [hbm4b:s5+s3], $0x80, v4, vm0, $0xb8;
	[tilespmem:$0x18100] =	vst v63  }
0xdb: {  	_ = 	snop  }
0xdc: {  	[tilespmem:s21], [sflag:$0x1] =	stream.indirect_vreg.gather [hbm4b:s6+s3], $0x80, v4, vm0, $0xb8;
	[tilespmem:$0x18100] =	vst v63  }
0xdd: {  	_ = 	snop  }
0xde: {  	[tilespmem:s22], [sflag:$0x1] =	stream.indirect_vreg.gather [hbm4b:s1+s3], $0x80, v3, vm0, $0xb8;
	[tilespmem:$0x18100] =	vst v63  }
0xdf: {  	_ = 	snop  }
0xe0: {  	[tilespmem:s23], [sflag:$0x1] =	stream.indirect_vreg.gather [hbm4b:s5+s3], $0x80, v3, vm0, $0xb8;
	[tilespmem:$0x18100] =	vst v63  }
0xe1: {  	_ = 	snop  }
0xe2: {  	[tilespmem:s24], [sflag:$0x1] =	stream.indirect_vreg.gather [hbm4b:s6+s3], $0x80, v3, vm0, $0xb8;
	[tilespmem:$0x18100] =	vst v63  }
0xe3: {  	v3 =	vld [tilespmem:$0xA0];
	_ =	sdelay $0x4  }
0xe4: {  	v58 =	vshrl.u32 v3, $0x3  }
0xe5: {  	v4 =	vmul.u32 $0x30, v58  }
0xe6: {  	v3 =	vand.u32 $0x7, v3  }
0xe7: {  	v3 =	vor.u32 v3, v4  }
0xe8: {  	v4 =	vperm.xlane v3, v0;
	_ =	sdelay $0x1  }
0xe9: {  	v4 =	vadd.s32 v1, v4;
	_ =	sdelay $0x3  }
0xea: {  	v3 =	vperm.xlane v3, v2  }
0xeb: {  	[tilespmem:s25], [sflag:$0x1] =	stream.indirect_vreg.gather [hbm4b:s1+s3], $0x80, v4, vm0, $0xb8;
	[tilespmem:$0x18100] =	vst v63  }
0xec: {  	v3 =	vadd.s32 v1, v3  }
0xed: {  	[tilespmem:s26], [sflag:$0x1] =	stream.indirect_vreg.gather [hbm4b:s5+s3], $0x80, v4, vm0, $0xb8;
	[tilespmem:$0x18100] =	vst v63  }
0xee: {  	_ = 	snop  }
0xef: {  	[tilespmem:s28], [sflag:$0x1] =	stream.indirect_vreg.gather [hbm4b:s6+s3], $0x80, v4, vm0, $0xb8;
	[tilespmem:$0x18100] =	vst v63  }
0xf0: {  	_ = 	snop  }
0xf1: {  	[tilespmem:s29], [sflag:$0x1] =	stream.indirect_vreg.gather [hbm4b:s1+s3], $0x80, v3, vm0, $0xb8;
	[tilespmem:$0x18100] =	vst v63  }
0xf2: {  	_ = 	snop  }
0xf3: {  	[tilespmem:s30], [sflag:$0x1] =	stream.indirect_vreg.gather [hbm4b:s5+s3], $0x80, v3, vm0, $0xb8;
	[tilespmem:$0x18100] =	vst v63  }
0xf4: {  	_ = 	snop  }
0xf5: {  	[tilespmem:s31], [sflag:$0x1] =	stream.indirect_vreg.gather [hbm4b:s6+s3], $0x80, v3, vm0, $0xb8;
	[tilespmem:$0x18100] =	vst v63  }
0xf6: {  	v3 =	vld [tilespmem:$0xB0];
	_ =	sdelay $0x4  }
0xf7: {  	v59 =	vshrl.u32 v3, $0x3  }
0xf8: {  	v4 =	vmul.u32 $0x30, v59  }
0xf9: {  	v3 =	vand.u32 $0x7, v3  }
0xfa: {  	v3 =	vor.u32 v3, v4  }
0xfb: {  	v4 =	vperm.xlane v3, v0;
	_ =	sdelay $0x1  }
0xfc: {  	v4 =	vadd.s32 v1, v4;
	_ =	sdelay $0x3  }
0xfd: {  	s13 =	simm.s32 $0x9100;
	v3 =	vperm.xlane v3, v2  }
0xfe: {  	[tilespmem:s13], [sflag:$0x1] =	stream.indirect_vreg.gather [hbm4b:s1+s3], $0x80, v4, vm0, $0xb8;
	[tilespmem:$0x18100] =	vst v63  }
0xff: {  	v3 =	vadd.s32 v1, v3  }
0x100: {  	[tilespmem:s4], [sflag:$0x1] =	stream.indirect_vreg.gather [hbm4b:s5+s3], $0x80, v4, vm0, $0xb8;
	[tilespmem:$0x18100] =	vst v63  }
0x101: {  	_ = 	snop  }
0x102: {  	[tilespmem:s11], [sflag:$0x1] =	stream.indirect_vreg.gather [hbm4b:s6+s3], $0x80, v4, vm0, $0xb8;
	[tilespmem:$0x18100] =	vst v63  }
0x103: {  	_ = 	snop  }
0x104: {  	[tilespmem:s8], [sflag:$0x1] =	stream.indirect_vreg.gather [hbm4b:s1+s3], $0x80, v3, vm0, $0xb8;
	[tilespmem:$0x18100] =	vst v63  }
0x105: {  	_ = 	snop  }
0x106: {  	[tilespmem:s9], [sflag:$0x1] =	stream.indirect_vreg.gather [hbm4b:s5+s3], $0x80, v3, vm0, $0xb8;
	[tilespmem:$0x18100] =	vst v63  }
0x107: {  	s0 =	simm.s32 $0xB900  }
0x108: {  	[tilespmem:s0], [sflag:$0x1] =	stream.indirect_vreg.gather [hbm4b:s6+s3], $0x80, v3, vm0, $0xb8;
	[tilespmem:$0x18100] =	vst v63  }
0x109: {  	s13 =	rddreg [dreg:$0x5]  }
0x10a: {  	[hbm4b:s13+s3] =	stream.linear.scatter [tilespmem:s2], [sflag:$0x2], $0xC000, $0x38;
	[tilespmem:$0x18100] =	vst v63  }
0x10b: {  	_ =	swait.ge [sflag:s10], $0xC000  }
0x10c: {  	[sflag:s10] =	ssyncset.done $0x0  }
0x10d: {  	[sflag:s10] =	ssyncadd.s32 $0xFFFF4000  }
0x10e: {  	_ =	swait.ge [sflag:s12], $0xC000  }
0x10f: {  	[sflag:s12] =	ssyncset.done $0x0  }
0x110: {  	[sflag:s12] =	ssyncadd.s32 $0xFFFF4000  }
0x111: {  	v3 =	vld [tilespmem:$0xC0];
	_ =	sdelay $0x4  }
0x112: {  	v60 =	vshrl.u32 v3, $0x3  }
0x113: {  	v4 =	vmul.u32 $0x30, v60  }
0x114: {  	v3 =	vand.u32 $0x7, v3  }
0x115: {  	v3 =	vor.u32 v3, v4  }
0x116: {  	v4 =	vperm.xlane v3, v0;
	_ =	sdelay $0x1  }
0x117: {  	v4 =	vadd.s32 v1, v4;
	_ =	sdelay $0x3  }
0x118: {  	v3 =	vperm.xlane v3, v2  }
0x119: {  	[tilespmem:s2], [sflag:$0x1] =	stream.indirect_vreg.gather [hbm4b:s1+s3], $0x80, v4, vm0, $0xb8;
	[tilespmem:$0x18100] =	vst v63  }
0x11a: {  	s13 =	simm.s32 $0xC900;
	v3 =	vadd.s32 v1, v3  }
0x11b: {  	[tilespmem:s13], [sflag:$0x1] =	stream.indirect_vreg.gather [hbm4b:s5+s3], $0x80, v4, vm0, $0xb8;
	[tilespmem:$0x18100] =	vst v63  }
0x11c: {  	s13 =	simm.s32 $0xD100  }
0x11d: {  	[tilespmem:s13], [sflag:$0x1] =	stream.indirect_vreg.gather [hbm4b:s6+s3], $0x80, v4, vm0, $0xb8;
	[tilespmem:$0x18100] =	vst v63  }
0x11e: {  	s13 =	simm.s32 $0xD900  }
0x11f: {  	[tilespmem:s13], [sflag:$0x1] =	stream.indirect_vreg.gather [hbm4b:s1+s3], $0x80, v3, vm0, $0xb8;
	[tilespmem:$0x18100] =	vst v63  }
0x120: {  	s13 =	simm.s32 $0xE100  }
0x121: {  	[tilespmem:s13], [sflag:$0x1] =	stream.indirect_vreg.gather [hbm4b:s5+s3], $0x80, v3, vm0, $0xb8;
	[tilespmem:$0x18100] =	vst v63  }
0x122: {  	s13 =	simm.s32 $0xE900  }
0x123: {  	[tilespmem:s13], [sflag:$0x1] =	stream.indirect_vreg.gather [hbm4b:s6+s3], $0x80, v3, vm0, $0xb8;
	[tilespmem:$0x18100] =	vst v63  }
0x124: {  	v3 =	vld [tilespmem:$0xD0];
	_ =	sdelay $0x4  }
0x125: {  	v61 =	vshrl.u32 v3, $0x3  }
0x126: {  	v4 =	vmul.u32 $0x30, v61  }
0x127: {  	v3 =	vand.u32 $0x7, v3  }
0x128: {  	v3 =	vor.u32 v3, v4  }
0x129: {  	v4 =	vperm.xlane v3, v0;
	_ =	sdelay $0x1  }
0x12a: {  	v4 =	vadd.s32 v1, v4;
	_ =	sdelay $0x3  }
0x12b: {  	s13 =	simm.s32 $0xF100;
	v3 =	vperm.xlane v3, v2  }
0x12c: {  	[tilespmem:s13], [sflag:$0x1] =	stream.indirect_vreg.gather [hbm4b:s1+s3], $0x80, v4, vm0, $0xb8;
	[tilespmem:$0x18100] =	vst v63  }
0x12d: {  	v3 =	vadd.s32 v1, v3;
	s13 =	simm.s32 $0xF900  }
0x12e: {  	[tilespmem:s13], [sflag:$0x1] =	stream.indirect_vreg.gather [hbm4b:s5+s3], $0x80, v4, vm0, $0xb8;
	[tilespmem:$0x18100] =	vst v63  }
0x12f: {  	s13 =	simm.s32 $0x10100  }
0x130: {  	[tilespmem:s13], [sflag:$0x1] =	stream.indirect_vreg.gather [hbm4b:s6+s3], $0x80, v4, vm0, $0xb8;
	[tilespmem:$0x18100] =	vst v63  }
0x131: {  	s13 =	simm.s32 $0x10900  }
0x132: {  	[tilespmem:s13], [sflag:$0x1] =	stream.indirect_vreg.gather [hbm4b:s1+s3], $0x80, v3, vm0, $0xb8;
	[tilespmem:$0x18100] =	vst v63  }
0x133: {  	s13 =	simm.s32 $0x11100  }
0x134: {  	[tilespmem:s13], [sflag:$0x1] =	stream.indirect_vreg.gather [hbm4b:s5+s3], $0x80, v3, vm0, $0xb8;
	[tilespmem:$0x18100] =	vst v63  }
0x135: {  	s13 =	simm.s32 $0x11900  }
0x136: {  	[tilespmem:s13], [sflag:$0x1] =	stream.indirect_vreg.gather [hbm4b:s6+s3], $0x80, v3, vm0, $0xb8;
	[tilespmem:$0x18100] =	vst v63  }
0x137: {  	v3 =	vld [tilespmem:$0xE0];
	_ =	sdelay $0x4  }
0x138: {  	v62 =	vshrl.u32 v3, $0x3  }
0x139: {  	v4 =	vmul.u32 $0x30, v62  }
0x13a: {  	v3 =	vand.u32 $0x7, v3  }
0x13b: {  	v3 =	vor.u32 v3, v4  }
0x13c: {  	v4 =	vperm.xlane v3, v0;
	_ =	sdelay $0x1  }
0x13d: {  	v4 =	vadd.s32 v1, v4;
	_ =	sdelay $0x3  }
0x13e: {  	s13 =	simm.s32 $0x12100;
	v3 =	vperm.xlane v3, v2  }
0x13f: {  	[tilespmem:s13], [sflag:$0x1] =	stream.indirect_vreg.gather [hbm4b:s1+s3], $0x80, v4, vm0, $0xb8;
	[tilespmem:$0x18100] =	vst v63  }
0x140: {  	v3 =	vadd.s32 v1, v3;
	s13 =	simm.s32 $0x12900  }
0x141: {  	[tilespmem:s13], [sflag:$0x1] =	stream.indirect_vreg.gather [hbm4b:s5+s3], $0x80, v4, vm0, $0xb8;
	[tilespmem:$0x18100] =	vst v63  }
0x142: {  	s13 =	simm.s32 $0x13100  }
0x143: {  	[tilespmem:s13], [sflag:$0x1] =	stream.indirect_vreg.gather [hbm4b:s6+s3], $0x80, v4, vm0, $0xb8;
	[tilespmem:$0x18100] =	vst v63  }
0x144: {  	s13 =	simm.s32 $0x13900  }
0x145: {  	[tilespmem:s13], [sflag:$0x1] =	stream.indirect_vreg.gather [hbm4b:s1+s3], $0x80, v3, vm0, $0xb8;
	[tilespmem:$0x18100] =	vst v63  }
0x146: {  	s13 =	simm.s32 $0x14100  }
0x147: {  	[tilespmem:s13], [sflag:$0x1] =	stream.indirect_vreg.gather [hbm4b:s5+s3], $0x80, v3, vm0, $0xb8;
	[tilespmem:$0x18100] =	vst v63  }
0x148: {  	s13 =	simm.s32 $0x14900  }
0x149: {  	[tilespmem:s13], [sflag:$0x1] =	stream.indirect_vreg.gather [hbm4b:s6+s3], $0x80, v3, vm0, $0xb8;
	[tilespmem:$0x18100] =	vst v63  }
0x14a: {  	v3 =	vld [tilespmem:$0xF0];
	_ =	sdelay $0x4  }
0x14b: {  	v63 =	vshrl.u32 v3, $0x3  }
0x14c: {  	v4 =	vmul.u32 $0x30, v63  }
0x14d: {  	v3 =	vand.u32 $0x7, v3  }
0x14e: {  	v3 =	vor.u32 v3, v4  }
0x14f: {  	v4 =	vperm.xlane v3, v0;
	_ =	sdelay $0x1  }
0x150: {  	v4 =	vadd.s32 v1, v4;
	_ =	sdelay $0x3  }
0x151: {  	s13 =	simm.s32 $0x15100;
	v3 =	vperm.xlane v3, v2  }
0x152: {  	[tilespmem:s13], [sflag:$0x1] =	stream.indirect_vreg.gather [hbm4b:s1+s3], $0x80, v4, vm0, $0xb8;
	[tilespmem:$0x18100] =	vst v63  }
0x153: {  	v3 =	vadd.s32 v1, v3;
	s13 =	simm.s32 $0x15900  }
0x154: {  	[tilespmem:s13], [sflag:$0x1] =	stream.indirect_vreg.gather [hbm4b:s5+s3], $0x80, v4, vm0, $0xb8;
	[tilespmem:$0x18100] =	vst v63  }
0x155: {  	s13 =	simm.s32 $0x16100  }
0x156: {  	[tilespmem:s13], [sflag:$0x1] =	stream.indirect_vreg.gather [hbm4b:s6+s3], $0x80, v4, vm0, $0xb8;
	[tilespmem:$0x18100] =	vst v63  }
0x157: {  	s13 =	simm.s32 $0x16900  }
0x158: {  	[tilespmem:s13], [sflag:$0x1] =	stream.indirect_vreg.gather [hbm4b:s1+s3], $0x80, v3, vm0, $0xb8;
	[tilespmem:$0x18100] =	vst v63  }
0x159: {  	s13 =	simm.s32 $0x17100  }
0x15a: {  	[tilespmem:s13], [sflag:$0x1] =	stream.indirect_vreg.gather [hbm4b:s5+s3], $0x80, v3, vm0, $0xb8;
	[tilespmem:$0x18100] =	vst v63  }
0x15b: {  	s0 =	simm.s32 $0x17900  }
0x15c: {  	[tilespmem:s0], [sflag:$0x1] =	stream.indirect_vreg.gather [hbm4b:s6+s3], $0x80, v3, vm0, $0xb8;
	[tilespmem:$0x18100] =	vst v63  }
0x15d: {  	s13 =	rddreg [dreg:$0x6];
	s0 =	simm.s32 $0x100  }
0x15e: {  	[hbm4b:s13+s3] =	stream.linear.scatter [tilespmem:s0], [sflag:$0x2], $0xC000, $0x38;
	[tilespmem:$0x18100] =	vst v63  }
0x15f: {  	_ =	swait.ge [sflag:s10], $0xC000  }
0x160: {  	[sflag:s10] =	ssyncset.done $0x0  }
0x161: {  	s0 =	rddreg [dreg:$0x7];
	[sflag:s10] =	ssyncadd.s32 $0xFFFF4000  }
0x162: {  	[hbm4b:s0+s3] =	stream.linear.scatter [tilespmem:s2], [sflag:$0x2], $0xC000, $0x38;
	[tilespmem:$0x18100] =	vst v63  }
0x163: {  	p0 =	sne.s32 s7, $0x1;
	_ =	swait.ge [sflag:s12], $0xC000  }
.Ltmp0:
0x164: {  	[sflag:s12] =	ssyncset.done $0x0;
	(pc) =	sbr.rel @p0 .LBB2_1-.Ltmp0, $4  }
0x165: {  	[sflag:s12] =	ssyncadd.s32 $0xFFFF4000  }
0x166: {  	_ =	swait.ge [sflag:s12], $0xC000  }
0x167: {  	[sflag:s12] =	ssyncset.done $0x0  }
0x168: {  	s7 =	sadd.s32 $0xFFFFFFFF, s7;
	[sflag:s12] =	ssyncadd.s32 $0xFFFF4000  }
0x169: {  	_ =	sfence.sel $0x180000  }
0x16a: {  	[bflag:$0x0] =	sbarrier.arrive $0xFFFF  }
0x16b: {  	_ =	strace $0x90000047  }
0x16c: {  	s0 =	stileid.u32;
	[bflag:$0x2] =	sbarrier.arrive $0xFFFF  }
0x16d: {  	p0 =	sne.s32 s0, $0x0;
	s0 =	rddreg [dreg:$0x3]  }
0x16e: {  	s0 =	sadd.s32 @!p0 $0x100000, s0  }
0x16f: {  	[sflag:s0] =	ssyncadd.tile.s32 @!p0 $0x1;
	_ =	shalt  }
.Lfunc_end2:
_tile_overlayer_lowered:
.L_overlay_start_2:
0x170: {  	(tag) =	ssettag $0x2  }
0x171: {  	s0 =	rddreg [dreg:$0x0];
	s2 =	stileid.u32  }
0x172: {  	s1 =	rddreg [dreg:$0x1];
	p0 =	sne.s32 s2, $0x0  }
0x173: {  	s3 =	rddreg [dreg:$0x2];
	[bflag:$0x3] =	sbarrier.arrive $0xFFFF;
	s2 =	simm.s32 @!p0 $0x1C03  }
0x174: {  	[timem:s3], [sflag:s2] =	dma.local @!p0 [hbm:s0], s1  }
0x175: {  	s0 =	simm.s32 @!p0 $0x3  }
0x176: {  	_ =	swait.ge @!p0 [sflag:s0], s1  }
0x177: {  	s1 =	ssub.s32 @!p0 $0x0, s1;
	[sflag:s0] =	ssyncset.done @!p0 $0x0  }
0x178: {  	[sflag:s0] =	ssyncadd.s32 @!p0 s1  }
0x179: {  	[bflag:$0x3] =	sbarrier.arrive $0xFFFF  }
0x17a: {  	_ =	shalt  }

</sc_bundles>
